<compile_context>
chip_gen: v7x
topology: tpu7x:2x2x1
jax: 0.10.2.dev20260603
libtpu: 0.0.44.dev20260713+nightly
codegen_flags: <defaults>
</compile_context>

<pallas_src>
import dataclasses

import jax
import jax.numpy as jnp
from jax import lax
from jax.experimental import pallas as pl
from jax.experimental.pallas import tpu as pltpu
from jax.experimental.pallas import tpu_sc as plsc

N_NODES = 10000
N_EDGES = 160000
IN_FEATS = 256

_NUM_WORKERS = 32
_LANES = 16
_CHUNK = 5008
_E_PAD = _NUM_WORKERS * _CHUNK

_BE = 2000


def _sc_same_kernel(h_hbm, src_hbm, dst_hbm, out_hbm, h_v, src_v, dst_v,
                    same_v, sem):
    wid = lax.axis_index("s") * 2 + lax.axis_index("c")
    base = wid * _CHUNK
    copy_h = pltpu.async_copy(h_hbm, h_v, sem)
    pltpu.sync_copy(src_hbm.at[pl.ds(base, _CHUNK)], src_v)
    pltpu.sync_copy(dst_hbm.at[pl.ds(base, _CHUNK)], dst_v)
    copy_h.wait()

    @pl.loop(0, _CHUNK, step=_LANES)
    def _(i):
        idx_s = src_v[pl.ds(i, _LANES)]
        idx_d = dst_v[pl.ds(i, _LANES)]
        vs = plsc.load_gather(h_v, [idx_s])
        vd = plsc.load_gather(h_v, [idx_d])
        same_v[pl.ds(i, _LANES)] = jnp.where(
            vs == vd, jnp.float32(1.0), jnp.float32(0.0))

    pltpu.sync_copy(same_v, out_hbm.at[pl.ds(base, _CHUNK)])


@jax.jit
def _sc_same(h32, src, dst):
    mesh = plsc.VectorSubcoreMesh(core_axis_name="c", subcore_axis_name="s")
    cp = pltpu.CompilerParams()
    if "needs_layout_passes" in pltpu.CompilerParams.__dataclass_fields__:
        cp = dataclasses.replace(cp, needs_layout_passes=False)
    kern = pl.kernel(
        _sc_same_kernel,
        mesh=mesh,
        compiler_params=cp,
        out_type=jax.ShapeDtypeStruct((_E_PAD,), jnp.float32),
        scratch_types=[
            pltpu.VMEM((N_NODES,), jnp.int32),
            pltpu.VMEM((_CHUNK,), jnp.int32),
            pltpu.VMEM((_CHUNK,), jnp.int32),
            pltpu.VMEM((_CHUNK,), jnp.float32),
            pltpu.SemaphoreType.DMA,
        ],
    )
    return kern(h32, src, dst)


def _tc_expand_kernel(same_ref, emb_ref, out_ref):
    s = same_ref[...]
    w0 = emb_ref[0:1, :]
    w1 = emb_ref[1:2, :]
    out_ref[...] = w0 + s * (w1 - w0)


@jax.jit
def _tc_expand(same2d, emb_weight):
    return pl.pallas_call(
        _tc_expand_kernel,
        grid=(N_EDGES // _BE,),
        in_specs=[
            pl.BlockSpec((_BE, 1), lambda i: (i, 0)),
            pl.BlockSpec((2, IN_FEATS), lambda i: (0, 0)),
        ],
        out_specs=pl.BlockSpec((_BE, IN_FEATS), lambda i: (i, 0)),
        out_shape=jax.ShapeDtypeStruct((N_EDGES, IN_FEATS), jnp.float32),
    )(same2d, emb_weight)


def kernel(h, edge_index, emb_weight):
    h32 = h.astype(jnp.int32)
    ei = edge_index.astype(jnp.int32)
    pad = jnp.zeros((2, _E_PAD - N_EDGES), jnp.int32)
    ei = jnp.concatenate([ei, pad], axis=1)
    same = _sc_same(h32, ei[0], ei[1])
    return _tc_expand(same[:N_EDGES].reshape(N_EDGES, 1), emb_weight)

# --- scband reference (transcript-rebuilt; emitter-appended) ---
"""Pipeline reference for scband-color-invariant-duplet-9345848836727 (READ-ONLY COPY).

The authoritative reference and input builder live on the scoring server;
editing this copy changes nothing except your own understanding.
"""

import jax, jax.numpy as jnp
import numpy as np

N_NODES = 10000
N_EDGES = 160000
IN_FEATS = 256
N_COLORS = 4


def setup_inputs(seed: int = 0) -> dict:
    key = jax.random.key(seed)
    k1, k2, k3 = jax.random.split(key, 3)
    h = jax.random.randint(k1, (N_NODES,), 0, N_COLORS, dtype=jnp.int64)
    edge_index = jax.random.randint(k2, (2, N_EDGES), 0, N_NODES, dtype=jnp.int64)
    emb_weight = jax.random.normal(k3, (2, IN_FEATS), dtype=jnp.float32)
    return {"h": h, "edge_index": edge_index, "emb_weight": emb_weight}


def reference(h, edge_index, emb_weight):
    # DGL apply_edges(comparison): per-edge compare src color vs dst color
    src = edge_index[0]
    dst = edge_index[1]
    h_src = jnp.take(h, src, axis=0)
    h_dst = jnp.take(h, dst, axis=0)
    same = (h_src == h_dst).astype(jnp.int32)  # edata['h'] in {0,1}
    # nn.Embedding(2, in_feats) lookup on the boolean comparison result
    out = jnp.take(emb_weight, same, axis=0)  # [E, in_feats]
    return out

if __name__ == "__main__":
    import jax
    _d = setup_inputs()
    print(jax.jit(kernel)(*tuple(_d.values())))

</pallas_src>

<mosaic_0001>
#map = affine_map<(d0, d1) -> (0)>
module attributes {stable_mosaic.version = 14 : i64} {
  func.func @_sc_same_kernel(%arg0: i32, %arg1: i32, %arg2: memref<10000xi32, #tpu.memory_space<hbm>>, %arg3: memref<160256xi32, #tpu.memory_space<hbm>>, %arg4: memref<160256xi32, #tpu.memory_space<hbm>>, %arg5: memref<160256xf32, #tpu.memory_space<hbm>>, %arg6: memref<10000xi32, #tpu.memory_space<vmem>>, %arg7: memref<5008xi32, #tpu.memory_space<vmem>>, %arg8: memref<5008xi32, #tpu.memory_space<vmem>>, %arg9: memref<5008xf32, #tpu.memory_space<vmem>>, %arg10: memref<!tpu.dma_semaphore, #tpu.memory_space<semaphore_mem>>) attributes {dimension_semantics = [#tpu.dimension_semantics<core_parallel>, #tpu.dimension_semantics<subcore_parallel>], iteration_bounds = array<i64: 2, 16>, scalar_prefetch = 0 : i64, scratch_operands = 5 : i64, tpu.core_type = #tpu.core_type<sc_vector_subcore>, window_params = [{transform_indices = #map}, {transform_indices = #map}, {transform_indices = #map}, {transform_indices = #map}]} {
    %mul3A = arith.constant 2 : i32
    %mul3A_0 = arith.muli %arg1, %mul3A : i32
    %add3A = arith.addi %mul3A_0, %arg0 : i32
    %mul3A_1 = arith.constant 5008 : i32
    %mul3A_2 = arith.muli %add3A, %mul3A_1 : i32
    tpu.enqueue_dma source(%arg2 : memref<10000xi32, #tpu.memory_space<hbm>>) target(%arg6 : memref<10000xi32, #tpu.memory_space<vmem>>) target_semaphore(%arg10 : memref<!tpu.dma_semaphore, #tpu.memory_space<semaphore_mem>>)
    "tpu.region"() ({
      %run_scoped3A = tpu.sem_alloc : memref<!tpu.dma_semaphore, #tpu.memory_space<semaphore_mem>>
      %dma_start3A = tpu.memref_slice %arg3[%mul3A_2] : memref<160256xi32, #tpu.memory_space<hbm>> -> memref<5008xi32, #tpu.memory_space<hbm>>
      %dma_start3A_7 = tpu.memref_slice %arg3[%mul3A_2] : memref<160256xi32, #tpu.memory_space<hbm>> -> memref<5008xi32, #tpu.memory_space<hbm>>
      tpu.enqueue_dma source(%dma_start3A_7 : memref<5008xi32, #tpu.memory_space<hbm>>) target(%arg7 : memref<5008xi32, #tpu.memory_space<vmem>>) target_semaphore(%run_scoped3A : memref<!tpu.dma_semaphore, #tpu.memory_space<semaphore_mem>>)
      %dma_wait3A = tpu.memref_slice %arg3[%mul3A_2] : memref<160256xi32, #tpu.memory_space<hbm>> -> memref<5008xi32, #tpu.memory_space<hbm>>
      %dma_wait3A_8 = tpu.memref_slice %arg3[%mul3A_2] : memref<160256xi32, #tpu.memory_space<hbm>> -> memref<5008xi32, #tpu.memory_space<hbm>>
      tpu.wait_dma2 semaphore(%run_scoped3A : memref<!tpu.dma_semaphore, #tpu.memory_space<semaphore_mem>>) src(%dma_wait3A_8 : memref<5008xi32, #tpu.memory_space<hbm>>) dst(%arg7 : memref<5008xi32, #tpu.memory_space<vmem>>)
      tpu.yield
    }) : () -> ()
    "tpu.region"() ({
      %run_scoped3A = tpu.sem_alloc : memref<!tpu.dma_semaphore, #tpu.memory_space<semaphore_mem>>
      %dma_start3A = tpu.memref_slice %arg4[%mul3A_2] : memref<160256xi32, #tpu.memory_space<hbm>> -> memref<5008xi32, #tpu.memory_space<hbm>>
      %dma_start3A_7 = tpu.memref_slice %arg4[%mul3A_2] : memref<160256xi32, #tpu.memory_space<hbm>> -> memref<5008xi32, #tpu.memory_space<hbm>>
      tpu.enqueue_dma source(%dma_start3A_7 : memref<5008xi32, #tpu.memory_space<hbm>>) target(%arg8 : memref<5008xi32, #tpu.memory_space<vmem>>) target_semaphore(%run_scoped3A : memref<!tpu.dma_semaphore, #tpu.memory_space<semaphore_mem>>)
      %dma_wait3A = tpu.memref_slice %arg4[%mul3A_2] : memref<160256xi32, #tpu.memory_space<hbm>> -> memref<5008xi32, #tpu.memory_space<hbm>>
      %dma_wait3A_8 = tpu.memref_slice %arg4[%mul3A_2] : memref<160256xi32, #tpu.memory_space<hbm>> -> memref<5008xi32, #tpu.memory_space<hbm>>
      tpu.wait_dma2 semaphore(%run_scoped3A : memref<!tpu.dma_semaphore, #tpu.memory_space<semaphore_mem>>) src(%dma_wait3A_8 : memref<5008xi32, #tpu.memory_space<hbm>>) dst(%arg8 : memref<5008xi32, #tpu.memory_space<vmem>>)
      tpu.yield
    }) : () -> ()
    tpu.wait_dma2 semaphore(%arg10 : memref<!tpu.dma_semaphore, #tpu.memory_space<semaphore_mem>>) src(%arg2 : memref<10000xi32, #tpu.memory_space<hbm>>) dst(%arg6 : memref<10000xi32, #tpu.memory_space<vmem>>)
    %scan3A = arith.constant 0 : i32
    %scan3A_3 = arith.constant 313 : i32
    %scan3A_4 = arith.addi %scan3A, %scan3A_3 : i32
    %scan3A_5 = arith.constant 1 : i32
    scf.for %scan3A_7 = %scan3A to %scan3A_4 step %scan3A_5  : i32 {
      %mul3A_8 = arith.constant 16 : i32
      %mul3A_9 = arith.muli %scan3A_7, %mul3A_8 : i32
      %add3A_10 = arith.constant 0 : i32
      %add3A_11 = arith.addi %add3A_10, %mul3A_9 : i32
      %get3A = arith.index_cast %add3A_11 : i32 to index
      %get3A_12 = tpu.vector_load %arg7[%get3A] {strides = array<i32>} : memref<5008xi32, #tpu.memory_space<vmem>>, vector<16xi32>,
      %get3A_13 = arith.index_cast %add3A_11 : i32 to index
      %get3A_14 = tpu.vector_load %arg8[%get3A_13] {strides = array<i32>} : memref<5008xi32, #tpu.memory_space<vmem>>, vector<16xi32>,
      %gather3A = tpu.vector_load_idx %arg6[%get3A_12] : memref<10000xi32, #tpu.memory_space<vmem>>[vector<16xi32>], vector<16xi32>,
      %gather3A_15 = tpu.vector_load_idx %arg6[%get3A_14] : memref<10000xi32, #tpu.memory_space<vmem>>[vector<16xi32>], vector<16xi32>,
      %eq3A = arith.cmpi eq, %gather3A, %gather3A_15 : vector<16xi32>
      %jit3A = arith.constant 1.000000e+00 : f32
      %jit3A_16 = arith.constant 0.000000e+00 : f32
      %broadcast_in_dim3A = vector.broadcast %jit3A : f32 to vector<16xf32>
      %broadcast_in_dim3A_17 = vector.broadcast %jit3A_16 : f32 to vector<16xf32>
      %select_n3A = arith.select %eq3A, %broadcast_in_dim3A, %broadcast_in_dim3A_17 : vector<16xi1>, vector<16xf32>
      %swap3A = arith.index_cast %add3A_11 : i32 to index
      %swap3A_18 = tpu.vector_load %arg9[%swap3A] {strides = array<i32>} : memref<5008xf32, #tpu.memory_space<vmem>>, vector<16xf32>,
      tpu.vector_store %arg9[%swap3A], %select_n3A {strides = array<i32>} : memref<5008xf32, #tpu.memory_space<vmem>>, vector<16xf32>,
    }
    %scan3A_6 = arith.constant 313 : i32
    "tpu.region"() ({
      %run_scoped3A = tpu.sem_alloc : memref<!tpu.dma_semaphore, #tpu.memory_space<semaphore_mem>>
      %dma_start3A = tpu.memref_slice %arg5[%mul3A_2] : memref<160256xf32, #tpu.memory_space<hbm>> -> memref<5008xf32, #tpu.memory_space<hbm>>
      %dma_start3A_7 = tpu.memref_slice %arg5[%mul3A_2] : memref<160256xf32, #tpu.memory_space<hbm>> -> memref<5008xf32, #tpu.memory_space<hbm>>
      tpu.enqueue_dma source(%arg9 : memref<5008xf32, #tpu.memory_space<vmem>>) target(%dma_start3A_7 : memref<5008xf32, #tpu.memory_space<hbm>>) target_semaphore(%run_scoped3A : memref<!tpu.dma_semaphore, #tpu.memory_space<semaphore_mem>>)
      %dma_wait3A = tpu.memref_slice %arg5[%mul3A_2] : memref<160256xf32, #tpu.memory_space<hbm>> -> memref<5008xf32, #tpu.memory_space<hbm>>
      %dma_wait3A_8 = tpu.memref_slice %arg5[%mul3A_2] : memref<160256xf32, #tpu.memory_space<hbm>> -> memref<5008xf32, #tpu.memory_space<hbm>>
      tpu.wait_dma2 semaphore(%run_scoped3A : memref<!tpu.dma_semaphore, #tpu.memory_space<semaphore_mem>>) src(%arg9 : memref<5008xf32, #tpu.memory_space<vmem>>) dst(%dma_wait3A_8 : memref<5008xf32, #tpu.memory_space<hbm>>)
      tpu.yield
    }) : () -> ()
    return
  }
}

</mosaic_0001>

<sc_bundles>
// kernel: _sc_same.3.cloned.1.call-start
scs
__scs_entry_jumppad:
0x0: {  	(pc) =	sbr.rel $0x88, $3  }
0x1: {  	(tag) =	ssettag $0x0;
	lr =	simm.s32 $0x1  }
0x2: {  	[smem:$0x3F9E] =	sst lr;
	_ =	strace $0xD0000000  }
0x3: {  	_ = 	snop  }
0x4: {  	_ = 	snop  }
0x5: {  	_ = 	snop  }
0x6: {  	_ = 	snop  }
0x7: {  	_ = 	snop  }
__scs_overlays_trampoline_lowered:
0x8: {  	[smem:$0x3FAD] =	sst s0  }
0x9: {  	[smem:$0x3FAE] =	sst s1  }
0xa: {  	[smem:$0x3FAF] =	sst s2  }
0xb: {  	[smem:$0x3FB0] =	sst s3  }
0xc: {  	[smem:$0x3FB1] =	sst s4  }
0xd: {  	[smem:$0x3FB2] =	sst s5  }
0xe: {  	[smem:$0x3FB3] =	sst s6  }
0xf: {  	[smem:$0x3FB4] =	sst s7  }
0x10: {  	[smem:$0x3FB5] =	sst s8  }
0x11: {  	[smem:$0x3FB6] =	sst s9;
	s0 =	simm.s32 @!p0 $0x0  }
0x12: {  	s1 =	sld [smem:$0x3F9C];
	s0 =	simm.s32 @p0 $0x1  }
0x13: {  	[smem:$0x3FB7] =	sst s0;
	s0 =	simm.s32 @!p1 $0x0  }
0x14: {  	s2 =	sld [smem:$0x3F9B];
	s0 =	simm.s32 @p1 $0x1  }
0x15: {  	[smem:$0x3FB8] =	sst s0;
	s0 =	simm.s32 @!p2 $0x0  }
0x16: {  	s3 =	sld [smem:$0x3FDB];
	s0 =	simm.s32 @p2 $0x1  }
0x17: {  	s4 =	simm.s32 $0x1BF5;
	[smem:$0x3FBA] =	sst s0  }
0x18: {  	s0 =	sld [smem:$0x3F9D];
	_ =	swait.ge [sflag:s4], $0x0  }
0x19: {  	s7 =	sld [smem:$0x3F9E]  }
0x1a: {  	s8 =	sadd.s32 $0xFFFFE003, lr  }
0x1b: {  	s9 =	sadd.s32 $0xFFFFFEF7, lr;
	s5 =	simm.s32 $0xFFFFFFFF;
	p2 =	slt.u32 s8, $0xFFFFF086  }
0x1c: {  	p1 =	slt.u32 s9, $0xF7A;
	s5 =	simm.s32 @!p2 $0x0  }
0x1d: {  	s5 =	simm.s32 @p1 $0x1;
	p0 =	seq.s32 s7, s2  }
0x1e: {  	s7 =	smul.u32 @!p0 $0xF7A, s2;
	p2 =	seq.s32 @!p0 s5, $0x0  }
0x1f: {  	s9 =	smul.u32 $0xF7A, s1;
	s8 =	simm.s32 @!p0 $0x1BF5;
	p2 =	por !p2, p0  }
0x20: {  	[sflag:s8] =	ssyncset.s32 @!p0 $0xFFFFF086;
	s6 =	sadd.s32 @!p0 s3, s7;
	s7 =	simm.s32 @!p0 $0x108  }
0x21: {  	s3 =	sadd.s32 s3, s9;
	s6 =	sadd.s32 @!p0 $0x88, s6;
	s7 =	simm.s32 @p2 $0x1082  }
0x22: {  	[simem:s7], [sflag:s8] =	dma.local @!p0 [hbm:s6], $0xF7A  }
0x23: {  	s9 =	sor.u32 $0xD0000000, s2;
	s6 =	simm.s32 $0x108;
	_ =	swait.ge @!p0 [sflag:s8], $0x0  }
0x24: {  	s3 =	sadd.s32 $0x88, s3;
	s6 =	simm.s32 @!p1 $0x1082;
	[sflag:s4] =	ssyncset.s32 $0xFFFFF086  }
0x25: {  	[simem:s6], [sflag:s4] =	dma.local [hbm:s3], $0xF7A  }
0x26: {  	[smem:$0x3F9E] =	sst s1;
	(tag) =	ssettag s2;
	_ =	strace s9  }
0x27: {  	s1 =	sld [smem:$0x3FAE]  }
0x28: {  	s2 =	sld [smem:$0x3FAF]  }
0x29: {  	s4 =	sld [smem:$0x3FB1]  }
0x2a: {  	p0 =	seq.s32 s5, $0x0;
	s5 =	sld [smem:$0x3FB2]  }
0x2b: {  	s6 =	sld [smem:$0x3FB3]  }
0x2c: {  	s7 =	sld [smem:$0x3FB4]  }
0x2d: {  	s3 =	simm.s32 $0x108;
	s8 =	sld [smem:$0x3FB5]  }
0x2e: {  	s3 =	simm.s32 @!p0 $0x1082;
	s9 =	sld [smem:$0x3FB6]  }
0x2f: {  	lr =	sadd.s32 s0, s3;
	s0 =	sld [smem:$0x3FAD]  }
0x30: {  	s3 =	sld [smem:$0x3FB0]  }
0x31: {  	[smem:$0x3FB9] =	sst s10  }
0x32: {  	s10 =	sld [smem:$0x3FB7];
	_ =	sdelay $0x3  }
0x33: {  	p0 =	seq.s32 s10, $0x1;
	s10 =	sld [smem:$0x3FB9];
	_ =	sdelay $0x3  }
0x34: {  	[smem:$0x3FB9] =	sst s10  }
0x35: {  	s10 =	sld [smem:$0x3FB8];
	_ =	sdelay $0x3  }
0x36: {  	p1 =	seq.s32 s10, $0x1;
	s10 =	sld [smem:$0x3FB9];
	_ =	sdelay $0x3  }
0x37: {  	[smem:$0x3FB9] =	sst s10  }
0x38: {  	s10 =	sld [smem:$0x3FBA]  }
0x39: {  	_ = 	snop;
	(pc) =	sbr.ind lr, $3  }
0x3a: {  	_ = 	snop  }
0x3b: {  	_ = 	snop  }
0x3c: {  	p2 =	seq.s32 s10, $0x1;
	s10 =	sld [smem:$0x3FB9]  }
0x3d: {  	_ =	shalt  }
0x3e: {  	_ =	shalt  }
0x3f: {  	_ =	shalt  }
0x40: {  	_ =	shalt  }
0x41: {  	_ =	shalt  }
0x42: {  	_ =	shalt  }
0x43: {  	_ =	shalt  }
0x44: {  	_ =	shalt  }
0x45: {  	_ =	shalt  }
0x46: {  	_ =	shalt  }
0x47: {  	_ =	shalt  }
0x48: {  	_ =	shalt  }
0x49: {  	_ =	shalt  }
0x4a: {  	_ =	shalt  }
0x4b: {  	_ =	shalt  }
0x4c: {  	_ =	shalt  }
0x4d: {  	_ =	shalt  }
0x4e: {  	_ =	shalt  }
0x4f: {  	_ =	shalt  }
0x50: {  	_ =	shalt  }
0x51: {  	_ =	shalt  }
0x52: {  	_ =	shalt  }
0x53: {  	_ =	shalt  }
0x54: {  	_ =	shalt  }
0x55: {  	_ =	shalt  }
0x56: {  	_ =	shalt  }
0x57: {  	_ =	shalt  }
0x58: {  	_ =	shalt  }
0x59: {  	_ =	shalt  }
0x5a: {  	_ =	shalt  }
0x5b: {  	_ =	shalt  }
0x5c: {  	_ =	shalt  }
0x5d: {  	_ =	shalt  }
0x5e: {  	_ =	shalt  }
0x5f: {  	_ =	shalt  }
0x60: {  	_ =	shalt  }
0x61: {  	_ =	shalt  }
0x62: {  	_ =	shalt  }
0x63: {  	_ =	shalt  }
0x64: {  	_ =	shalt  }
0x65: {  	_ =	shalt  }
0x66: {  	_ =	shalt  }
0x67: {  	_ =	shalt  }
0x68: {  	_ =	shalt  }
0x69: {  	_ =	shalt  }
0x6a: {  	_ =	shalt  }
0x6b: {  	_ =	shalt  }
0x6c: {  	_ =	shalt  }
0x6d: {  	_ =	shalt  }
0x6e: {  	_ =	shalt  }
0x6f: {  	_ =	shalt  }
0x70: {  	_ =	shalt  }
0x71: {  	_ =	shalt  }
0x72: {  	_ =	shalt  }
0x73: {  	_ =	shalt  }
0x74: {  	_ =	shalt  }
0x75: {  	_ =	shalt  }
0x76: {  	_ =	shalt  }
0x77: {  	_ =	shalt  }
0x78: {  	_ =	shalt  }
0x79: {  	_ =	shalt  }
0x7a: {  	_ =	shalt  }
0x7b: {  	_ =	shalt  }
0x7c: {  	_ =	shalt  }
0x7d: {  	_ =	shalt  }
0x7e: {  	_ =	shalt  }
0x7f: {  	_ =	shalt  }
0x80: {  	_ =	shalt  }
0x81: {  	_ =	shalt  }
0x82: {  	_ =	shalt  }
0x83: {  	_ =	shalt  }
0x84: {  	_ =	shalt  }
0x85: {  	_ =	shalt  }
0x86: {  	_ =	shalt  }
0x87: {  	_ =	shalt  }
.Lfunc_end0:
.L_simem_size_0:
called_computation_lowered:
.L_overlay_start_0:
0x88: {  	s2 =	sld [smem:$0x3FD9]  }
0x89: {  	s3 =	sld [smem:$0x3FFE];
	_ =	sdelay $0x1  }
0x8a: {  	s1 =	srdreg.scid  }
0x8b: {  	s0 =	sand.u32 $0x1, s1  }
0x8c: {  	s18 =	sshll.u32 s0, $0xA;
	s2 =	sadd.s32 s3, s2  }
0x8d: {  	s2 =	sadd.s32 s2, s18  }
0x8e: {  	[smem:$0x3FC5] =	sst s2  }
0x8f: {  	_ = 	snop  }
0x90: {  	s2 =	sld [smem:$0x3FC9]  }
0x91: {  	s19 =	sld [smem:$0x3FC8]  }
0x92: {  	s4 =	sld [smem:$0x3FC7]  }
0x93: {  	s5 =	sld [smem:$0x3FD0];
	(tm) =	ssettm $0x1  }
0x94: {  	s6 =	sld [smem:$0x3FFB];
	_ =	sdelay $0x3  }
0x95: {  	_ =	strace s6  }
0x96: {  	s6 =	sld [smem:$0x3FFC];
	_ =	sdelay $0x3  }
0x97: {  	_ =	strace s6  }
0x98: {  	s6 =	sld [smem:$0x3FFD];
	_ =	sdelay $0x3  }
0x99: {  	_ =	strace s6  }
0x9a: {  	_ =	strace $0x8FFFFFFF  }
0x9b: {  	s20 =	sld [smem:$0x3FDB];
	_ =	sdelay $0x1  }
0x9c: {  	s7 =	simm.s32 $_scs_section_size  }
0x9d: {  	s8 =	simm.s32 $_size__tile_overlayer_lowered;
	s9 =	simm.s32 $_tile_overlayer_lowered  }
0x9e: {  	s23 =	simm.s32 $0x1BFF;
	s22 =	sshll.u32 s9, $0x1;
	s6 =	sadd.s32 s7, s20  }
0x9f: {  	s10 =	simm.s32 $0x0;
	s21 =	sshll.u32 s8, $0x1;
	s8 =	sadd.s32 s22, s6  }
0xa0: {  	[timem:s10], [sflag:s23] =	dma.local [hbm:s8], s21  }
0xa1: {  	_ =	swait.ge [sflag:s23], s21  }
0xa2: {  	s7 =	ssub.s32 $0x0, s21;
	[sflag:s23] =	ssyncset.done $0x0  }
0xa3: {  	[sflag:s23] =	ssyncadd.s32 s7;
	_ =	sdelay $0x1  }
0xa4: {  	s24 =	simm.s32 $0x1B8B  }
0xa5: {  	_ =	swait.ge [sflag:s24], $0x1  }
0xa6: {  	[sflag:s24] =	ssyncset.done $0x0  }
0xa7: {  	s25 =	simm.s32 $0x1B8E;
	[sflag:s24] =	ssyncadd.s32 $0xFFFFFFFF  }
0xa8: {  	s26 =	simm.s32 $execute0_lowered;
	[smem:$0x3FD2] =	sst s25  }
0xa9: {  	s7 =	sshll.u32 s26, $0x1;
	_ =	strace $0x80000046;
	[dreg:$0x1] =	wrdreg $0xFFFFFFFF  }
0xaa: {  	s28 =	simm.s32 $_size_execute0_lowered;
	s6 =	sadd.s32 s6, s7;
	[dreg:$0x0] =	wrdreg $0x0  }
0xab: {  	s7 =	sshll.u32 s28, $0x1;
	[dreg:$0x2] =	wrdreg s6  }
0xac: {  	[dreg:$0x3] =	wrdreg s7  }
0xad: {  	[dreg:$0x4] =	wrdreg $0xC0  }
0xae: {  	_ =	task [dreg:s10], $0x5FFFF  }
0xaf: {  	[dreg:$0x1] =	wrdreg $0xFFFFFFFF  }
0xb0: {  	[dreg:$0x0] =	wrdreg $0x60  }
0xb1: {  	[dreg:$0x2] =	wrdreg s2  }
0xb2: {  	[dreg:$0x3] =	wrdreg s19  }
0xb3: {  	[dreg:$0x4] =	wrdreg s4  }
0xb4: {  	[dreg:$0x5] =	wrdreg s5  }
0xb5: {  	[dreg:$0x6] =	wrdreg $0x9  }
0xb6: {  	_ =	task.clear_ibuf [dreg:s10], $0x7FFFF;
	_ =	strace $0x90000046  }
0xb7: {  	s29 =	simm.s32 $0x9;
	_ =	strace $0x80000048  }
0xb8: {  	_ =	swait.ge [sflag:s29], $0x1  }
0xb9: {  	[sflag:s29] =	ssyncadd.s32 $0xFFFFFFFF  }
0xba: {  	_ =	strace $0x90000048  }
0xbb: {  	_ =	sfence  }
0xbc: {  	s30 =	sld [smem:$0x0];
	_ =	sdelay $0x2  }
0xbd: {  	s31 =	sshll.u32 s1, $0xD;
	s1 =	sshrl.u32 s1, $0x2  }
0xbe: {  	s3 =	sand.u32 $0x4000, s31;
	s1 =	sadd.s32 s1, s30  }
0xbf: {  	s0 =	sor.u32 s3, s0;
	s1 =	sshll.u32 s1, $0x11  }
0xc0: {  	s0 =	sor.u32 s1, s0  }
0xc1: {  	s0 =	sadd.s32 $0x8F2B, s0  }
0xc2: {  	[sflag:s0] =	ssyncadd.remote.s32 $0x1  }
0xc3: {  	_ =	sfence.sel $0xFFFF  }
0xc4: {  	[dreg:$0x0] =	wrdreg $0xFFFFFFFF;
	(pc) =	sbr.abs _section_cstart, $3  }
0xc5: {  	[dreg:$0x1] =	wrdreg $0xFFFFFFFF  }
0xc6: {  	_ =	task.clear_ibuf [dreg:s10], $0x2FFFF;
	_ =	strace $0x9FFFFFFF  }
0xc7: {  	(tm) =	ssettm $0x7FFFFFFF  }
tec
execute0_lowered:
.L_overlay_start_1:
0x0: {  	(tag) =	ssettag $0x1  }
0x1: {  	s1 =	rddreg [dreg:$0x0]  }
0x2: {  	s4 =	rddreg [dreg:$0x1]  }
0x3: {  	s5 =	rddreg [dreg:$0x2];
	s2 =	srdreg.scid  }
0x4: {  	s0 =	stileid.u32;
	s6 =	rddreg [dreg:$0x3]  }
0x5: {  	s10 =	simm.s32 $0x3B80;
	s11 =	simm.s32 $0x1;
	s12 =	simm.s32 $0x4F80  }
0x6: {  	s13 =	simm.s32 $0x0;
	s7 =	sand.u32 $0x1, s2;
	s3 =	sshll.u32 s0, $0x1  }
0x7: {  	s8 =	sor.u32 s7, s3;
	s3 =	simm.s32 $0x0;
	s7 =	ssub.s32 $0x2, s7  }
0x8: {  	s8 =	smul.u32 $0x272, s8;
	[smem:$0x7FF] =	sst s3;
	s9 =	sshrl.u32 s7, $0x1  }
0x9: {  	s2 =	rddreg [dreg:$0x4];
	_ =	strace $0x80000047;
	s7 =	ssub.s32 s7, s9  }
0xa: {  	s9 =	simm.s32 $0x2;
	s4 =	sadd.s32 s4, s8;
	s5 =	sadd.s32 s5, s8  }
0xb: {  	v0 =	vimm.f32 $0.0e+00;
	s6 =	sadd.s32 s6, s8;
	s7 =	smax.u32 s7, $0x1;
	s8 =	simm.s32 $0x2780  }
.LBB2_1:
0xc: {  	[tilespmem:s3], [sflag:$0x1] =	stream.linear.gather [hbm4b:s1+s3], $0x2780, $0x38;
	[tilespmem:$0x6380] =	vst v63  }
0xd: {  	_ = 	snop  }
0xe: {  	[tilespmem:s8], [sflag:$0x2] =	stream.linear.gather [hbm4b:s4+s3], $0x1390, $0x38;
	[tilespmem:$0x6380] =	vst v63  }
0xf: {  	_ =	swait.ge [sflag:s9], $0x1390  }
0x10: {  	[sflag:s9] =	ssyncset.done $0x0  }
0x11: {  	[sflag:s9] =	ssyncadd.s32 $0xFFFFEC70  }
0x12: {  	[tilespmem:s10], [sflag:$0x2] =	stream.linear.gather [hbm4b:s5+s3], $0x1390, $0x38;
	[tilespmem:$0x6380] =	vst v63  }
0x13: {  	_ =	swait.ge [sflag:s9], $0x1390  }
0x14: {  	[sflag:s9] =	ssyncset.done $0x0  }
0x15: {  	[sflag:s9] =	ssyncadd.s32 $0xFFFFEC70  }
0x16: {  	_ =	swait.ge [sflag:s11], $0x2780  }
0x17: {  	[sflag:s11] =	ssyncset.done $0x0  }
0x18: {  	s14 =	simm.s32 $0x0;
	[sflag:s11] =	ssyncadd.s32 $0xFFFFD880  }
0x19: {  	v1 =	vld [tilespmem:s14+$0x3B80]  }
0x1a: {  	v3 =	vld [tilespmem:s14+$0x2780];
	_ =	sdelay $0x6  }
0x1b: {  	v2 =	vld.idx.msk [tilespmem:v1+s3+$0x0], $0xffff  }
0x1c: {  	s15 =	simm.s32 $0x10;
	v3 =	vld.idx.msk [tilespmem:v3+s3+$0x0], $0xffff  }
0x1d: {  	s16 =	simm.s32 $0x80;
	v1 =	vld [tilespmem:s15+$0x3B80]  }
.LBB2_2:
0x1e: {  	p0 =	sne.s32 s16, $0x4E00;
	v4 =	vld [tilespmem:s15+$0x2780];
	_ =	sdelay $0x3  }
0x1f: {  	vm0 =	veq.s32 v3, v2  }
.Ltmp0:
0x20: {  	v2 =	vsel vm0, $0x3F800000, v0;
	(pc) =	sbr.rel @p0 .LBB2_2-.Ltmp0, $4  }
0x21: {  	[tilespmem:s14+$0x4F80] =	vst v2;
	s14 =	smov.u32 s15  }
0x22: {  	v2 =	vld.idx.msk [tilespmem:v1+s3+$0x0], $0xffff  }
0x23: {  	s15 =	sshra.s32 s16, $0x2;
	v3 =	vld.idx.msk [tilespmem:v4+s3+$0x0], $0xffff  }
0x24: {  	s16 =	sadd.s32 $0x40, s16;
	v1 =	vld [tilespmem:s15+$0x3B80]  }
0x25: {  	_ = 	snop  }
0x26: {  	v4 =	vld [tilespmem:s15+$0x2780];
	_ =	sdelay $0x3  }
0x27: {  	vm0 =	veq.s32 v3, v2  }
0x28: {  	v2 =	vsel vm0, $0x3F800000, v0  }
0x29: {  	[tilespmem:s14+$0x4F80] =	vst v2  }
0x2a: {  	v1 =	vld.idx.msk [tilespmem:v1+s3+$0x0], $0xffff  }
0x2b: {  	v2 =	vld.idx.msk [tilespmem:v4+s3+$0x0], $0xffff;
	_ =	sdelay $0x4  }
0x2c: {  	s13 =	sadd.s32 $0x1, s13;
	vm15 =	veq.s32 v2, v1  }
0x2d: {  	p0 =	sne.s32 s13, s7;
	v1 =	vsel vm15, $0x3F800000, v0  }
.Ltmp1:
0x2e: {  	[tilespmem:s15+$0x4F80] =	vst v1;
	(pc) =	sbr.rel @p0 .LBB2_1-.Ltmp1, $4  }
0x2f: {  	[hbm4b:s6+s3] =	stream.linear.scatter [tilespmem:s12], [sflag:$0x2], $0x1390, $0x38;
	[tilespmem:$0x6380] =	vst v63  }
0x30: {  	_ =	swait.ge [sflag:s9], $0x1390  }
0x31: {  	[sflag:s9] =	ssyncset.done $0x0  }
0x32: {  	[sflag:s9] =	ssyncadd.s32 $0xFFFFEC70  }
0x33: {  	_ =	sfence.sel $0x180000  }
0x34: {  	[bflag:$0x0] =	sbarrier.arrive $0xFFFF  }
0x35: {  	p0 =	sne.s32 s0, $0x0;
	_ =	strace $0x90000047  }
0x36: {  	s0 =	sadd.s32 @!p0 $0x100000, s2;
	[bflag:$0x2] =	sbarrier.arrive $0xFFFF  }
0x37: {  	[sflag:s0] =	ssyncadd.tile.s32 @!p0 $0x1;
	_ =	shalt  }
.Lfunc_end2:
_tile_overlayer_lowered:
.L_overlay_start_2:
0x38: {  	(tag) =	ssettag $0x2  }
0x39: {  	s0 =	rddreg [dreg:$0x0];
	s2 =	stileid.u32  }
0x3a: {  	s1 =	rddreg [dreg:$0x1];
	p0 =	sne.s32 s2, $0x0  }
0x3b: {  	s3 =	rddreg [dreg:$0x2];
	[bflag:$0x3] =	sbarrier.arrive $0xFFFF;
	s2 =	simm.s32 @!p0 $0x1C02  }
0x3c: {  	[timem:s3], [sflag:s2] =	dma.local @!p0 [hbm:s0], s1  }
0x3d: {  	s0 =	simm.s32 @!p0 $0x2  }
0x3e: {  	_ =	swait.ge @!p0 [sflag:s0], s1  }
0x3f: {  	s1 =	ssub.s32 @!p0 $0x0, s1;
	[sflag:s0] =	ssyncset.done @!p0 $0x0  }
0x40: {  	[sflag:s0] =	ssyncadd.s32 @!p0 s1  }
0x41: {  	[bflag:$0x3] =	sbarrier.arrive $0xFFFF  }
0x42: {  	_ =	shalt  }

</sc_bundles>
